<compile_context>
chip_gen: v7x
topology: tpu7x:2x2x1
jax: 0.10.2.dev20260603
libtpu: 0.0.44.dev20260713+nightly
codegen_flags: <defaults>
</compile_context>

<pallas_src>
import functools

import jax
import jax.numpy as jnp
from jax import lax
from jax.experimental import pallas as pl
from jax.experimental.pallas import tpu as pltpu
from jax.experimental.pallas import tpu_sc as plsc

B, D, H, N = 1024, 64, 512, 100000
TN = 4000
NSTEPS = N // TN
NC = TN // 8
BIG_I32 = 2**30
BIG_F32 = 3.0e38


def _argmin_body(table_hbm, codesneg_ref, q2_ref, t2_ref, iota_ref, out_ref,
                 best_d, best_i, tbuf, sems):
    i = pl.program_id(0)

    def tile_cp(j, slot):
        return pltpu.make_async_copy(
            table_hbm.at[pl.ds(j * TN, TN), :], tbuf.at[slot], sems.at[slot])

    @pl.when(i == 0)
    def _prime():
        tile_cp(0, 0).start()

    @pl.when(i + 1 < NSTEPS)
    def _prefetch():
        tile_cp(i + 1, (i + 1) % 2).start()

    tile_cp(i, i % 2).wait()
    dT = lax.dot_general(
        codesneg_ref[...], tbuf[i % 2],
        (((1,), (1,)), ((), ())),
        preferred_element_type=jnp.float32,
    )
    d2 = (q2_ref[...] + dT) + t2_ref[0]
    m = jnp.min(d2, axis=1, keepdims=True)
    cand = jnp.where(d2 == m, iota_ref[0], BIG_F32)
    idx = jnp.min(cand, axis=1, keepdims=True)

    @pl.when(i == 0)
    def _init():
        best_d[...] = m
        best_i[...] = idx

    @pl.when(i > 0)
    def _update():
        better = m < best_d[...]
        best_d[...] = jnp.where(better, m, best_d[...])
        best_i[...] = jnp.where(better, idx, best_i[...])

    @pl.when(i == NSTEPS - 1)
    def _emit():
        out_ref[...] = best_i[...].astype(jnp.int32)


def _argmin_tc(codesneg, codes_table, q2_col, t2_row, iota_row):
    return pl.pallas_call(
        _argmin_body,
        grid=(NSTEPS,),
        in_specs=[
            pl.BlockSpec(memory_space=pl.ANY),
            pl.BlockSpec((B, D), lambda i: (0, 0)),
            pl.BlockSpec((B, 1), lambda i: (0, 0)),
            pl.BlockSpec((1, 1, TN), lambda i: (i, 0, 0)),
            pl.BlockSpec((1, 1, TN), lambda i: (i, 0, 0)),
        ],
        out_specs=pl.BlockSpec((B, 1), lambda i: (0, 0)),
        out_shape=jax.ShapeDtypeStruct((B, 1), jnp.int32),
        scratch_shapes=[
            pltpu.VMEM((B, 1), jnp.float32),
            pltpu.VMEM((B, 1), jnp.float32),
            pltpu.VMEM((2, TN, D), jnp.float32),
            pltpu.SemaphoreType.DMA((2,)),
        ],
    )(codes_table, codesneg, q2_col, t2_row, iota_row)


def _gather_sc(table128, chosen):
    info = plsc.get_sparse_core_info()
    nw = info.num_cores * info.num_subcores
    b_per_w = B // nw
    mesh = plsc.VectorSubcoreMesh(core_axis_name="c", subcore_axis_name="s")

    @functools.partial(
        pl.kernel,
        out_type=jax.ShapeDtypeStruct((B, 2 * D), jnp.float32),
        mesh=mesh,
        scratch_types=[
            pltpu.VMEM((b_per_w,), jnp.int32),
            pltpu.VMEM((b_per_w,), jnp.int32),
            pltpu.VMEM((b_per_w, 2 * D), jnp.float32),
            pltpu.SemaphoreType.DMA,
        ],
    )
    def k(table_hbm, idx_hbm, out_hbm, idx_v, pidx_v, rows_v, sem):
        wid = lax.axis_index("s") * info.num_cores + lax.axis_index("c")
        base = wid * b_per_w
        pltpu.sync_copy(idx_hbm.at[pl.ds(base, b_per_w)], idx_v)
        for j in range(b_per_w // 16):
            sl = pl.ds(j * 16, 16)
            pidx_v[sl] = lax.shift_right_logical(idx_v[sl], 1)
        pltpu.async_copy(table_hbm.at[pidx_v], rows_v, sem).wait()
        pltpu.sync_copy(rows_v, out_hbm.at[pl.ds(base, b_per_w)])

    return k(table128, chosen)


def _mlp_body(packed_ref, chosen_ref, w1_ref, b1_ref, wu_ref, bu_ref, ws_ref,
              bs_ref, mu_ref, std_ref):
    odd = (chosen_ref[...] & 1) == 1
    prev = jnp.where(odd, packed_ref[:, D:], packed_ref[:, :D])
    h1 = lax.dot_general(
        prev, w1_ref[...], (((1,), (1,)), ((), ())),
        preferred_element_type=jnp.float32,
    ) + b1_ref[...]
    h1 = jnp.maximum(h1, 0.0)
    mu_ref[...] = lax.dot_general(
        h1, wu_ref[...], (((1,), (1,)), ((), ())),
        preferred_element_type=jnp.float32,
    ) + bu_ref[...]
    s = lax.dot_general(
        h1, ws_ref[...], (((1,), (1,)), ((), ())),
        preferred_element_type=jnp.float32,
    ) + bs_ref[...]
    std_ref[...] = jax.nn.softplus(s) + 0.0001


def _mlp_tc(packed, chosen2d, W1, b1r, Wu, bur, Ws, bsr):
    return pl.pallas_call(
        _mlp_body,
        out_shape=(
            jax.ShapeDtypeStruct((B, D), jnp.float32),
            jax.ShapeDtypeStruct((B, D), jnp.float32),
        ),
    )(packed, chosen2d, W1, b1r, Wu, bur, Ws, bsr)


def kernel(codes, codes_table, W1, b1, Wu, bu, Ws, bs):
    q2 = jnp.sum(codes * codes, axis=1, keepdims=True)
    t2 = jnp.sum(codes_table * codes_table, axis=1)
    iota_row = jnp.arange(N, dtype=jnp.float32).reshape(NSTEPS, 1, TN)
    chosen = _argmin_tc(codes * (-2.0), codes_table,
                        q2, t2.reshape(NSTEPS, 1, TN), iota_row)
    packed = _gather_sc(codes_table.reshape(N // 2, 2 * D), chosen.reshape(B))
    mu, std = _mlp_tc(packed, chosen.reshape(B, 1), W1, b1.reshape(1, H),
                      Wu, bu.reshape(1, D), Ws, bs.reshape(1, D))
    return (mu, std)

# --- scband reference (transcript-rebuilt; emitter-appended) ---
"""Pipeline reference for scband-prior-network-9809705304291 (READ-ONLY COPY).

The authoritative reference and input builder live on the scoring server;
editing this copy changes nothing except your own understanding.
"""

import jax, jax.numpy as jnp
import numpy as np

B, D, H, N, K = 1024, 64, 512, 100000, 5

def setup_inputs(seed: int = 0) -> dict:
    key = jax.random.key(seed)
    ks = jax.random.split(key, 8)
    return {
        "codes": jax.random.normal(ks[0], (B, D), dtype=jnp.float32),
        "codes_table": jax.random.normal(ks[1], (N, D), dtype=jnp.float32),
        "W1": jax.random.normal(ks[2], (H, D), dtype=jnp.float32) * 0.05,
        "b1": jnp.zeros((H,), dtype=jnp.float32),
        "Wu": jax.random.normal(ks[3], (D, H), dtype=jnp.float32) * 0.05,
        "bu": jnp.zeros((D,), dtype=jnp.float32),
        "Ws": jax.random.normal(ks[4], (D, H), dtype=jnp.float32) * 0.05,
        "bs": jnp.zeros((D,), dtype=jnp.float32),
    }

def reference(codes, codes_table, W1, b1, Wu, bu, Ws, bs):
    # --- KNN lookup (sklearn KNeighborsClassifier.kneighbors, euclidean) ---
    q2 = jnp.sum(codes * codes, axis=1, keepdims=True)            # [B, 1]
    t2 = jnp.sum(codes_table * codes_table, axis=1)               # [N]
    d2 = q2 - 2.0 * (codes @ codes_table.T) + t2[None, :]         # [B, N] squared dists
    _, neighbor_indexes = jax.lax.top_k(-d2, K)                   # k nearest
    # eval mode: chosen_neighbor_index = 0 (the nearest neighbor)
    chosen = neighbor_indexes[:, 0]                               # [B]
    previous_codes = jnp.take(codes_table, chosen, axis=0)        # gather [B, D]
    # --- encode ---
    h1 = jax.nn.relu(previous_codes @ W1.T + b1)
    mu = h1 @ Wu.T + bu
    std = h1 @ Ws.T + bs
    return (mu, jax.nn.softplus(std) + 0.0001)

if __name__ == "__main__":
    import jax
    _d = setup_inputs()
    print(jax.jit(kernel)(*tuple(_d.values())))

</pallas_src>

<mosaic_0001>
#map = affine_map<(d0, d1) -> (0, 0)>
#map1 = affine_map<(d0, d1) -> (0)>
module attributes {stable_mosaic.version = 14 : i64} {
  func.func @k(%arg0: i32, %arg1: i32, %arg2: memref<50000x128xf32, #tpu.memory_space<hbm>>, %arg3: memref<1024xi32, #tpu.memory_space<hbm>>, %arg4: memref<1024x128xf32, #tpu.memory_space<hbm>>, %arg5: memref<32xi32, #tpu.memory_space<vmem>>, %arg6: memref<32xi32, #tpu.memory_space<vmem>>, %arg7: memref<32x128xf32, #tpu.memory_space<vmem>>, %arg8: memref<!tpu.dma_semaphore, #tpu.memory_space<semaphore_mem>>) attributes {dimension_semantics = [#tpu.dimension_semantics<core_parallel>, #tpu.dimension_semantics<subcore_parallel>], iteration_bounds = array<i64: 2, 16>, scalar_prefetch = 0 : i64, scratch_operands = 4 : i64, tpu.core_type = #tpu.core_type<sc_vector_subcore>, window_params = [{transform_indices = #map}, {transform_indices = #map1}, {transform_indices = #map}]} {
    %mul3A = arith.constant 2 : i32
    %mul3A_0 = arith.muli %arg1, %mul3A : i32
    %add3A = arith.addi %mul3A_0, %arg0 : i32
    %mul3A_1 = arith.constant 32 : i32
    %mul3A_2 = arith.muli %add3A, %mul3A_1 : i32
    "tpu.region"() ({
      %run_scoped3A = tpu.sem_alloc : memref<!tpu.dma_semaphore, #tpu.memory_space<semaphore_mem>>
      %dma_start3A_24 = tpu.memref_slice %arg3[%mul3A_2] : memref<1024xi32, #tpu.memory_space<hbm>> -> memref<32xi32, #tpu.memory_space<hbm>>
      %dma_start3A_25 = tpu.memref_slice %arg3[%mul3A_2] : memref<1024xi32, #tpu.memory_space<hbm>> -> memref<32xi32, #tpu.memory_space<hbm>>
      tpu.enqueue_dma source(%dma_start3A_25 : memref<32xi32, #tpu.memory_space<hbm>>) target(%arg5 : memref<32xi32, #tpu.memory_space<vmem>>) target_semaphore(%run_scoped3A : memref<!tpu.dma_semaphore, #tpu.memory_space<semaphore_mem>>)
      %dma_wait3A_26 = tpu.memref_slice %arg3[%mul3A_2] : memref<1024xi32, #tpu.memory_space<hbm>> -> memref<32xi32, #tpu.memory_space<hbm>>
      %dma_wait3A_27 = tpu.memref_slice %arg3[%mul3A_2] : memref<1024xi32, #tpu.memory_space<hbm>> -> memref<32xi32, #tpu.memory_space<hbm>>
      tpu.wait_dma2 semaphore(%run_scoped3A : memref<!tpu.dma_semaphore, #tpu.memory_space<semaphore_mem>>) src(%dma_wait3A_27 : memref<32xi32, #tpu.memory_space<hbm>>) dst(%arg5 : memref<32xi32, #tpu.memory_space<vmem>>)
      tpu.yield
    }) : () -> ()
    %get3A = arith.constant 0 : index
    %get3A_3 = tpu.vector_load %arg5[%get3A] {strides = array<i32>} : memref<32xi32, #tpu.memory_space<vmem>>, vector<16xi32>,
    %get3A_4 = vector.shape_cast %get3A_3 : vector<16xi32> to vector<16xi32>
    %shift_right_logical3A = arith.constant 1 : i32
    %shift_right_logical3A_5 = vector.broadcast %shift_right_logical3A : i32 to vector<16xi32>
    %shift_right_logical3A_6 = arith.shrui %get3A_4, %shift_right_logical3A_5 : vector<16xi32>
    %swap3A = arith.constant 0 : index
    %swap3A_7 = tpu.vector_load %arg6[%swap3A] {strides = array<i32>} : memref<32xi32, #tpu.memory_space<vmem>>, vector<16xi32>,
    %swap3A_8 = vector.shape_cast %swap3A_7 : vector<16xi32> to vector<16xi32>
    %swap3A_9 = vector.shape_cast %shift_right_logical3A_6 : vector<16xi32> to vector<16xi32>
    tpu.vector_store %arg6[%swap3A], %swap3A_9 {strides = array<i32>} : memref<32xi32, #tpu.memory_space<vmem>>, vector<16xi32>,
    %get3A_10 = arith.constant 16 : index
    %get3A_11 = tpu.vector_load %arg5[%get3A_10] {strides = array<i32>} : memref<32xi32, #tpu.memory_space<vmem>>, vector<16xi32>,
    %get3A_12 = vector.shape_cast %get3A_11 : vector<16xi32> to vector<16xi32>
    %shift_right_logical3A_13 = arith.constant 1 : i32
    %shift_right_logical3A_14 = vector.broadcast %shift_right_logical3A_13 : i32 to vector<16xi32>
    %shift_right_logical3A_15 = arith.shrui %get3A_12, %shift_right_logical3A_14 : vector<16xi32>
    %swap3A_16 = arith.constant 16 : index
    %swap3A_17 = tpu.vector_load %arg6[%swap3A_16] {strides = array<i32>} : memref<32xi32, #tpu.memory_space<vmem>>, vector<16xi32>,
    %swap3A_18 = vector.shape_cast %swap3A_17 : vector<16xi32> to vector<16xi32>
    %swap3A_19 = vector.shape_cast %shift_right_logical3A_15 : vector<16xi32> to vector<16xi32>
    tpu.vector_store %arg6[%swap3A_16], %swap3A_19 {strides = array<i32>} : memref<32xi32, #tpu.memory_space<vmem>>, vector<16xi32>,
    %dma_start3A = arith.constant 0 : i32
    %dma_start3A_20 = arith.constant 0 : i32
    %dma_start3A_21 = tpu.memref_slice %arg2[%dma_start3A, %dma_start3A_20] : memref<50000x128xf32, #tpu.memory_space<hbm>> -> memref<50000x128xf32, #tpu.memory_space<hbm>>
    tpu.enqueue_indirect_dma source(%dma_start3A_21 : memref<50000x128xf32, #tpu.memory_space<hbm>>) target(%arg7 : memref<32x128xf32, #tpu.memory_space<vmem>>) offsets(%arg6 : memref<32xi32, #tpu.memory_space<vmem>>) semaphore(%arg8 : memref<!tpu.dma_semaphore, #tpu.memory_space<semaphore_mem>>)
    %dma_wait3A = arith.constant 0 : i32
    %dma_wait3A_22 = arith.constant 0 : i32
    %dma_wait3A_23 = tpu.memref_slice %arg2[%dma_wait3A, %dma_wait3A_22] : memref<50000x128xf32, #tpu.memory_space<hbm>> -> memref<50000x128xf32, #tpu.memory_space<hbm>>
    tpu.wait_indirect_dma semaphore(%arg8 : memref<!tpu.dma_semaphore, #tpu.memory_space<semaphore_mem>>) src(%dma_wait3A_23 : memref<50000x128xf32, #tpu.memory_space<hbm>>) dst(%arg7 : memref<32x128xf32, #tpu.memory_space<vmem>>)
    "tpu.region"() ({
      %run_scoped3A = tpu.sem_alloc : memref<!tpu.dma_semaphore, #tpu.memory_space<semaphore_mem>>
      %dma_start3A_24 = arith.constant 0 : i32
      %dma_start3A_25 = tpu.memref_slice %arg4[%mul3A_2, %dma_start3A_24] : memref<1024x128xf32, #tpu.memory_space<hbm>> -> memref<32x128xf32, #tpu.memory_space<hbm>>
      %dma_start3A_26 = arith.constant 0 : i32
      %dma_start3A_27 = tpu.memref_slice %arg4[%mul3A_2, %dma_start3A_26] : memref<1024x128xf32, #tpu.memory_space<hbm>> -> memref<32x128xf32, #tpu.memory_space<hbm>>
      tpu.enqueue_dma source(%arg7 : memref<32x128xf32, #tpu.memory_space<vmem>>) target(%dma_start3A_27 : memref<32x128xf32, #tpu.memory_space<hbm>>) target_semaphore(%run_scoped3A : memref<!tpu.dma_semaphore, #tpu.memory_space<semaphore_mem>>)
      %dma_wait3A_28 = arith.constant 0 : i32
      %dma_wait3A_29 = tpu.memref_slice %arg4[%mul3A_2, %dma_wait3A_28] : memref<1024x128xf32, #tpu.memory_space<hbm>> -> memref<32x128xf32, #tpu.memory_space<hbm>>
      %dma_wait3A_30 = arith.constant 0 : i32
      %dma_wait3A_31 = tpu.memref_slice %arg4[%mul3A_2, %dma_wait3A_30] : memref<1024x128xf32, #tpu.memory_space<hbm>> -> memref<32x128xf32, #tpu.memory_space<hbm>>
      tpu.wait_dma2 semaphore(%run_scoped3A : memref<!tpu.dma_semaphore, #tpu.memory_space<semaphore_mem>>) src(%arg7 : memref<32x128xf32, #tpu.memory_space<vmem>>) dst(%dma_wait3A_31 : memref<32x128xf32, #tpu.memory_space<hbm>>)
      tpu.yield
    }) : () -> ()
    return
  }
}

module attributes {stable_mosaic.version = 14 : i64} {
  func.func @_argmin_body(%arg0: i32, %arg1: memref<100000x64xf32, #tpu.memory_space<any>>, %arg2: memref<1024x64xf32, #tpu.memory_space<vmem>>, %arg3: memref<1024x1xf32, #tpu.memory_space<vmem>>, %arg4: memref<1x1x4000xf32, #tpu.memory_space<vmem>>, %arg5: memref<1x1x4000xf32, #tpu.memory_space<vmem>>, %arg6: memref<1024x1xi32, #tpu.memory_space<vmem>>, %arg7: memref<1024x1xf32, #tpu.memory_space<vmem>>, %arg8: memref<1024x1xf32, #tpu.memory_space<vmem>>, %arg9: memref<2x4000x64xf32, #tpu.memory_space<vmem>>, %arg10: memref<2x!tpu.dma_semaphore, #tpu.memory_space<semaphore_mem>>) attributes {dimension_semantics = [#tpu.dimension_semantics<arbitrary>], iteration_bounds = array<i64: 25>, scalar_prefetch = 0 : i64, scratch_operands = 4 : i64, tpu.core_type = #tpu.core_type<tc>, window_params = [{}, {pipeline_mode = #tpu.pipeline_mode<synchronous>, transform_indices = @transform_1, window_bounds = array<i64: 1024, 64>}, {pipeline_mode = #tpu.pipeline_mode<synchronous>, transform_indices = @transform_2, window_bounds = array<i64: 1024, 1>}, {transform_indices = @transform_3, window_bounds = array<i64: 1, 1, 4000>}, {transform_indices = @transform_4, window_bounds = array<i64: 1, 1, 4000>}, {pipeline_mode = #tpu.pipeline_mode<synchronous>, transform_indices = @transform_5, window_bounds = array<i64: 1024, 1>}]} {
    %eq3A = arith.constant 0 : i32
    %eq3A_0 = arith.cmpi eq, %arg0, %eq3A : i32
    %convert_element_type3A = arith.extui %eq3A_0 : i1 to i32
    %cond3A = arith.constant 0 : i32
    %cond3A_1 = arith.cmpi ne, %convert_element_type3A, %cond3A : i32
    scf.if %cond3A_1 {
      %dma_start3A = arith.constant 0 : i32
      %dma_start3A_92 = arith.constant 0 : i32
      %dma_start3A_93 = tpu.memref_slice %arg10[%dma_start3A_92] : memref<2x!tpu.dma_semaphore, #tpu.memory_space<semaphore_mem>> -> memref<1x!tpu.dma_semaphore, #tpu.memory_space<semaphore_mem>>
      %dma_start3A_94 = tpu.memref_squeeze %dma_start3A_93 : memref<1x!tpu.dma_semaphore, #tpu.memory_space<semaphore_mem>> -> memref<!tpu.dma_semaphore, #tpu.memory_space<semaphore_mem>>
      %dma_start3A_95 = arith.constant 0 : i32
      %dma_start3A_96 = arith.constant 0 : i32
      %dma_start3A_97 = tpu.memref_slice %arg9[%dma_start3A, %dma_start3A_95, %dma_start3A_96] : memref<2x4000x64xf32, #tpu.memory_space<vmem>> -> memref<1x4000x64xf32, #tpu.memory_space<vmem>>
      %dma_start3A_98 = tpu.memref_squeeze %dma_start3A_97 : memref<1x4000x64xf32, #tpu.memory_space<vmem>> -> memref<4000x64xf32, #tpu.memory_space<vmem>>
      %dma_start3A_99 = arith.constant 0 : i32
      %dma_start3A_100 = arith.constant 0 : i32
      %dma_start3A_101 = tpu.memref_slice %arg1[%dma_start3A_99, %dma_start3A_100] : memref<100000x64xf32, #tpu.memory_space<any>> -> memref<4000x64xf32, #tpu.memory_space<any>>
      tpu.enqueue_dma source(%dma_start3A_101 : memref<4000x64xf32, #tpu.memory_space<any>>) target(%dma_start3A_98 : memref<4000x64xf32, #tpu.memory_space<vmem>>) target_semaphore(%dma_start3A_94 : memref<!tpu.dma_semaphore, #tpu.memory_space<semaphore_mem>>)
    } else {
    }
    %add3A = arith.constant 1 : i32
    %add3A_2 = arith.addi %arg0, %add3A : i32
    %lt3A = arith.constant 25 : i32
    %lt3A_3 = arith.cmpi slt, %add3A_2, %lt3A : i32
    %convert_element_type3A_4 = arith.extui %lt3A_3 : i1 to i32
    %cond3A_5 = arith.constant 0 : i32
    %cond3A_6 = arith.cmpi ne, %convert_element_type3A_4, %cond3A_5 : i32
    scf.if %cond3A_6 {
      %add3A_92 = arith.constant 1 : i32
      %add3A_93 = arith.addi %arg0, %add3A_92 : i32
      %add3A_94 = arith.constant 1 : i32
      %add3A_95 = arith.addi %arg0, %add3A_94 : i32
      %jit3A_96 = arith.constant 2 : i32
      %eq3A_97 = arith.constant 0 : i32
      %eq3A_98 = arith.cmpi eq, %jit3A_96, %eq3A_97 : i32
      %jit3A_99 = arith.constant 1 : i32
      %select_n3A_100 = arith.select %eq3A_98, %jit3A_99, %jit3A_96 : i32
      %rem3A_101 = arith.remsi %add3A_95, %select_n3A_100 : i32
      %ne3A_102 = arith.constant 0 : i32
      %ne3A_103 = arith.cmpi ne, %rem3A_101, %ne3A_102 : i32
      %lt3A_104 = arith.constant 0 : i32
      %lt3A_105 = arith.cmpi slt, %rem3A_101, %lt3A_104 : i32
      %lt3A_106 = arith.constant 0 : i32
      %lt3A_107 = arith.cmpi slt, %select_n3A_100, %lt3A_106 : i32
      %ne3A_108 = arith.xori %lt3A_105, %lt3A_107 : i1
      %and3A_109 = arith.andi %ne3A_108, %ne3A_103 : i1
      %add3A_110 = arith.addi %rem3A_101, %select_n3A_100 : i32
      %select_n3A_111 = arith.select %and3A_109, %add3A_110, %rem3A_101 : i32
      %mul3A_112 = arith.constant 4000 : i32
      %mul3A_113 = arith.muli %add3A_93, %mul3A_112 : i32
      %dma_start3A = tpu.memref_slice %arg10[%select_n3A_111] : memref<2x!tpu.dma_semaphore, #tpu.memory_space<semaphore_mem>> -> memref<1x!tpu.dma_semaphore, #tpu.memory_space<semaphore_mem>>
      %dma_start3A_114 = tpu.memref_squeeze %dma_start3A : memref<1x!tpu.dma_semaphore, #tpu.memory_space<semaphore_mem>> -> memref<!tpu.dma_semaphore, #tpu.memory_space<semaphore_mem>>
      %dma_start3A_115 = arith.constant 0 : i32
      %dma_start3A_116 = arith.constant 0 : i32
      %dma_start3A_117 = tpu.memref_slice %arg9[%select_n3A_111, %dma_start3A_115, %dma_start3A_116] : memref<2x4000x64xf32, #tpu.memory_space<vmem>> -> memref<1x4000x64xf32, #tpu.memory_space<vmem>>
      %dma_start3A_118 = tpu.memref_squeeze %dma_start3A_117 : memref<1x4000x64xf32, #tpu.memory_space<vmem>> -> memref<4000x64xf32, #tpu.memory_space<vmem>>
      %dma_start3A_119 = arith.constant 0 : i32
      %dma_start3A_120 = tpu.memref_slice %arg1[%mul3A_113, %dma_start3A_119] : memref<100000x64xf32, #tpu.memory_space<any>> -> memref<4000x64xf32, #tpu.memory_space<any>>
      tpu.enqueue_dma source(%dma_start3A_120 : memref<4000x64xf32, #tpu.memory_space<any>>) target(%dma_start3A_118 : memref<4000x64xf32, #tpu.memory_space<vmem>>) target_semaphore(%dma_start3A_114 : memref<!tpu.dma_semaphore, #tpu.memory_space<semaphore_mem>>)
    } else {
    }
    %jit3A = arith.constant 2 : i32
    %eq3A_7 = arith.constant 0 : i32
    %eq3A_8 = arith.cmpi eq, %jit3A, %eq3A_7 : i32
    %jit3A_9 = arith.constant 1 : i32
    %select_n3A = arith.select %eq3A_8, %jit3A_9, %jit3A : i32
    %rem3A = arith.remsi %arg0, %select_n3A : i32
    %ne3A = arith.constant 0 : i32
    %ne3A_10 = arith.cmpi ne, %rem3A, %ne3A : i32
    %lt3A_11 = arith.constant 0 : i32
    %lt3A_12 = arith.cmpi slt, %rem3A, %lt3A_11 : i32
    %lt3A_13 = arith.constant 0 : i32
    %lt3A_14 = arith.cmpi slt, %select_n3A, %lt3A_13 : i32
    %ne3A_15 = arith.xori %lt3A_12, %lt3A_14 : i1
    %and3A = arith.andi %ne3A_15, %ne3A_10 : i1
    %add3A_16 = arith.addi %rem3A, %select_n3A : i32
    %select_n3A_17 = arith.select %and3A, %add3A_16, %rem3A : i32
    %mul3A = arith.constant 4000 : i32
    %mul3A_18 = arith.muli %arg0, %mul3A : i32
    %dma_wait3A = tpu.memref_slice %arg10[%select_n3A_17] : memref<2x!tpu.dma_semaphore, #tpu.memory_space<semaphore_mem>> -> memref<1x!tpu.dma_semaphore, #tpu.memory_space<semaphore_mem>>
    %dma_wait3A_19 = tpu.memref_squeeze %dma_wait3A : memref<1x!tpu.dma_semaphore, #tpu.memory_space<semaphore_mem>> -> memref<!tpu.dma_semaphore, #tpu.memory_space<semaphore_mem>>
    %dma_wait3A_20 = arith.constant 0 : i32
    %dma_wait3A_21 = arith.constant 0 : i32
    %dma_wait3A_22 = tpu.memref_slice %arg9[%select_n3A_17, %dma_wait3A_20, %dma_wait3A_21] : memref<2x4000x64xf32, #tpu.memory_space<vmem>> -> memref<1x4000x64xf32, #tpu.memory_space<vmem>>
    %dma_wait3A_23 = tpu.memref_squeeze %dma_wait3A_22 : memref<1x4000x64xf32, #tpu.memory_space<vmem>> -> memref<4000x64xf32, #tpu.memory_space<vmem>>
    %dma_wait3A_24 = arith.constant 0 : i32
    %dma_wait3A_25 = tpu.memref_slice %arg1[%mul3A_18, %dma_wait3A_24] : memref<100000x64xf32, #tpu.memory_space<any>> -> memref<4000x64xf32, #tpu.memory_space<any>>
    tpu.wait_dma2 semaphore(%dma_wait3A_19 : memref<!tpu.dma_semaphore, #tpu.memory_space<semaphore_mem>>) src(%dma_wait3A_25 : memref<4000x64xf32, #tpu.memory_space<any>>) dst(%dma_wait3A_23 : memref<4000x64xf32, #tpu.memory_space<vmem>>)
    %get3A = arith.constant 0 : index
    %get3A_26 = arith.constant 0 : index
    %get3A_27 = vector.load %arg2[%get3A, %get3A_26] : memref<1024x64xf32, #tpu.memory_space<vmem>>, vector<1024x64xf32>
    %jit3A_28 = arith.constant 2 : i32
    %eq3A_29 = arith.constant 0 : i32
    %eq3A_30 = arith.cmpi eq, %jit3A_28, %eq3A_29 : i32
    %jit3A_31 = arith.constant 1 : i32
    %select_n3A_32 = arith.select %eq3A_30, %jit3A_31, %jit3A_28 : i32
    %rem3A_33 = arith.remsi %arg0, %select_n3A_32 : i32
    %ne3A_34 = arith.constant 0 : i32
    %ne3A_35 = arith.cmpi ne, %rem3A_33, %ne3A_34 : i32
    %lt3A_36 = arith.constant 0 : i32
    %lt3A_37 = arith.cmpi slt, %rem3A_33, %lt3A_36 : i32
    %lt3A_38 = arith.constant 0 : i32
    %lt3A_39 = arith.cmpi slt, %select_n3A_32, %lt3A_38 : i32
    %ne3A_40 = arith.xori %lt3A_37, %lt3A_39 : i1
    %and3A_41 = arith.andi %ne3A_40, %ne3A_35 : i1
    %add3A_42 = arith.addi %rem3A_33, %select_n3A_32 : i32
    %select_n3A_43 = arith.select %and3A_41, %add3A_42, %rem3A_33 : i32
    %get3A_44 = arith.index_cast %select_n3A_43 : i32 to index
    %get3A_45 = arith.constant 0 : index
    %get3A_46 = arith.constant 0 : index
    %get3A_47 = vector.load %arg9[%get3A_44, %get3A_45, %get3A_46] : memref<2x4000x64xf32, #tpu.memory_space<vmem>>, vector<1x4000x64xf32>
    %get3A_48 = vector.shape_cast %get3A_47 : vector<1x4000x64xf32> to vector<4000x64xf32>
    %dot_general3A = arith.constant dense<0.000000e+00> : vector<1024x4000xf32>
    %dot_general3A_49 = tpu.matmul %get3A_27, %get3A_48, %dot_general3A {dimension_numbers = #tpu.dot_dimension_numbers<[1], [1], [0], [0], [0, 0, 1, 0], [], []>, transpose_lhs_hint = false} : vector<1024x64xf32>, vector<4000x64xf32>, vector<1024x4000xf32> -> vector<1024x4000xf32>
    %get3A_50 = arith.constant 0 : index
    %get3A_51 = arith.constant 0 : index
    %get3A_52 = vector.load %arg3[%get3A_50, %get3A_51] : memref<1024x1xf32, #tpu.memory_space<vmem>>, vector<1024x1xf32>
    %add3A_53 = vector.broadcast %get3A_52 : vector<1024x1xf32> to vector<1024x4000xf32>
    %add3A_54 = arith.addf %add3A_53, %dot_general3A_49 : vector<1024x4000xf32>
    %get3A_55 = arith.constant 0 : index
    %get3A_56 = arith.constant 0 : index
    %get3A_57 = arith.constant 0 : index
    %get3A_58 = vector.load %arg4[%get3A_55, %get3A_56, %get3A_57] : memref<1x1x4000xf32, #tpu.memory_space<vmem>>, vector<1x1x4000xf32>
    %get3A_59 = vector.shape_cast %get3A_58 : vector<1x1x4000xf32> to vector<1x4000xf32>
    %add3A_60 = vector.broadcast %get3A_59 : vector<1x4000xf32> to vector<1024x4000xf32>
    %add3A_61 = arith.addf %add3A_54, %add3A_60 : vector<1024x4000xf32>
    %reduce_min3A = arith.constant dense<0x7F800000> : vector<1024xf32>
    %reduce_min3A_62 = vector.multi_reduction <minimumf>, %add3A_61, %reduce_min3A [1] : vector<1024x4000xf32> to vector<1024xf32>
    %broadcast_in_dim3A = vector.shape_cast %reduce_min3A_62 : vector<1024xf32> to vector<1024x1xf32>
    %eq3A_63 = vector.broadcast %broadcast_in_dim3A : vector<1024x1xf32> to vector<1024x4000xf32>
    %eq3A_64 = arith.cmpf oeq, %add3A_61, %eq3A_63 : vector<1024x4000xf32>
    %get3A_65 = arith.constant 0 : index
    %get3A_66 = arith.constant 0 : index
    %get3A_67 = arith.constant 0 : index
    %get3A_68 = vector.load %arg5[%get3A_65, %get3A_66, %get3A_67] : memref<1x1x4000xf32, #tpu.memory_space<vmem>>, vector<1x1x4000xf32>
    %get3A_69 = vector.shape_cast %get3A_68 : vector<1x1x4000xf32> to vector<1x4000xf32>
    %jit3A_70 = arith.constant 3.000000e+38 : f32
    %broadcast_in_dim3A_71 = vector.shape_cast %get3A_69 : vector<1x4000xf32> to vector<1x4000xf32>
    %broadcast_in_dim3A_72 = vector.broadcast %broadcast_in_dim3A_71 : vector<1x4000xf32> to vector<1024x4000xf32>
    %broadcast_in_dim3A_73 = vector.broadcast %jit3A_70 : f32 to vector<1024x4000xf32>
    %select_n3A_74 = arith.select %eq3A_64, %broadcast_in_dim3A_72, %broadcast_in_dim3A_73 : vector<1024x4000xi1>, vector<1024x4000xf32>
    %reduce_min3A_75 = arith.constant dense<0x7F800000> : vector<1024xf32>
    %reduce_min3A_76 = vector.multi_reduction <minimumf>, %select_n3A_74, %reduce_min3A_75 [1] : vector<1024x4000xf32> to vector<1024xf32>
    %broadcast_in_dim3A_77 = vector.shape_cast %reduce_min3A_76 : vector<1024xf32> to vector<1024x1xf32>
    %eq3A_78 = arith.constant 0 : i32
    %eq3A_79 = arith.cmpi eq, %arg0, %eq3A_78 : i32
    %convert_element_type3A_80 = arith.extui %eq3A_79 : i1 to i32
    %cond3A_81 = arith.constant 0 : i32
    %cond3A_82 = arith.cmpi ne, %convert_element_type3A_80, %cond3A_81 : i32
    scf.if %cond3A_82 {
      %swap3A = arith.constant 0 : index
      %swap3A_92 = arith.constant 0 : index
      %swap3A_93 = vector.load %arg7[%swap3A, %swap3A_92] : memref<1024x1xf32, #tpu.memory_space<vmem>>, vector<1024x1xf32>
      tpu.vector_store %arg7[%swap3A, %swap3A_92], %broadcast_in_dim3A {strides = array<i32>} : memref<1024x1xf32, #tpu.memory_space<vmem>>, vector<1024x1xf32>,
      %swap3A_94 = arith.constant 0 : index
      %swap3A_95 = arith.constant 0 : index
      %swap3A_96 = vector.load %arg8[%swap3A_94, %swap3A_95] : memref<1024x1xf32, #tpu.memory_space<vmem>>, vector<1024x1xf32>
      tpu.vector_store %arg8[%swap3A_94, %swap3A_95], %broadcast_in_dim3A_77 {strides = array<i32>} : memref<1024x1xf32, #tpu.memory_space<vmem>>, vector<1024x1xf32>,
    } else {
    }
    %gt3A = arith.constant 0 : i32
    %gt3A_83 = arith.cmpi sgt, %arg0, %gt3A : i32
    %convert_element_type3A_84 = arith.extui %gt3A_83 : i1 to i32
    %cond3A_85 = arith.constant 0 : i32
    %cond3A_86 = arith.cmpi ne, %convert_element_type3A_84, %cond3A_85 : i32
    scf.if %cond3A_86 {
      %get3A_92 = arith.constant 0 : index
      %get3A_93 = arith.constant 0 : index
      %get3A_94 = vector.load %arg7[%get3A_92, %get3A_93] : memref<1024x1xf32, #tpu.memory_space<vmem>>, vector<1024x1xf32>
      %lt3A_95 = arith.cmpf olt, %broadcast_in_dim3A, %get3A_94 : vector<1024x1xf32>
      %get3A_96 = arith.constant 0 : index
      %get3A_97 = arith.constant 0 : index
      %get3A_98 = vector.load %arg7[%get3A_96, %get3A_97] : memref<1024x1xf32, #tpu.memory_space<vmem>>, vector<1024x1xf32>
      %select_n3A_99 = arith.select %lt3A_95, %broadcast_in_dim3A, %get3A_98 : vector<1024x1xi1>, vector<1024x1xf32>
      %swap3A = arith.constant 0 : index
      %swap3A_100 = arith.constant 0 : index
      %swap3A_101 = vector.load %arg7[%swap3A, %swap3A_100] : memref<1024x1xf32, #tpu.memory_space<vmem>>, vector<1024x1xf32>
      tpu.vector_store %arg7[%swap3A, %swap3A_100], %select_n3A_99 {strides = array<i32>} : memref<1024x1xf32, #tpu.memory_space<vmem>>, vector<1024x1xf32>,
      %get3A_102 = arith.constant 0 : index
      %get3A_103 = arith.constant 0 : index
      %get3A_104 = vector.load %arg8[%get3A_102, %get3A_103] : memref<1024x1xf32, #tpu.memory_space<vmem>>, vector<1024x1xf32>
      %select_n3A_105 = arith.select %lt3A_95, %broadcast_in_dim3A_77, %get3A_104 : vector<1024x1xi1>, vector<1024x1xf32>
      %swap3A_106 = arith.constant 0 : index
      %swap3A_107 = arith.constant 0 : index
      %swap3A_108 = vector.load %arg8[%swap3A_106, %swap3A_107] : memref<1024x1xf32, #tpu.memory_space<vmem>>, vector<1024x1xf32>
      tpu.vector_store %arg8[%swap3A_106, %swap3A_107], %select_n3A_105 {strides = array<i32>} : memref<1024x1xf32, #tpu.memory_space<vmem>>, vector<1024x1xf32>,
    } else {
    }
    %eq3A_87 = arith.constant 24 : i32
    %eq3A_88 = arith.cmpi eq, %arg0, %eq3A_87 : i32
    %convert_element_type3A_89 = arith.extui %eq3A_88 : i1 to i32
    %cond3A_90 = arith.constant 0 : i32
    %cond3A_91 = arith.cmpi ne, %convert_element_type3A_89, %cond3A_90 : i32
    scf.if %cond3A_91 {
      %get3A_92 = arith.constant 0 : index
      %get3A_93 = arith.constant 0 : index
      %get3A_94 = vector.load %arg8[%get3A_92, %get3A_93] : memref<1024x1xf32, #tpu.memory_space<vmem>>, vector<1024x1xf32>
      %convert_element_type3A_95 = arith.fptosi %get3A_94 : vector<1024x1xf32> to vector<1024x1xi32>
      %swap3A = arith.constant 0 : index
      %swap3A_96 = arith.constant 0 : index
      %swap3A_97 = vector.load %arg6[%swap3A, %swap3A_96] : memref<1024x1xi32, #tpu.memory_space<vmem>>, vector<1024x1xi32>
      tpu.vector_store %arg6[%swap3A, %swap3A_96], %convert_element_type3A_95 {strides = array<i32>} : memref<1024x1xi32, #tpu.memory_space<vmem>>, vector<1024x1xi32>,
    } else {
    }
    return
  }
  func.func @transform_1(%arg0: i32) -> (i32, i32) {
    %c0_i32 = arith.constant 0 : i32
    %c0_i32_0 = arith.constant 0 : i32
    %c0_i32_1 = arith.constant 0 : i32
    return %c0_i32, %c0_i32_0 : i32, i32
  }
  func.func @transform_2(%arg0: i32) -> (i32, i32) {
    %c0_i32 = arith.constant 0 : i32
    %c0_i32_0 = arith.constant 0 : i32
    %c0_i32_1 = arith.constant 0 : i32
    return %c0_i32, %c0_i32_0 : i32, i32
  }
  func.func @transform_3(%arg0: i32) -> (i32, i32, i32) {
    %c0_i32 = arith.constant 0 : i32
    %c0_i32_0 = arith.constant 0 : i32
    %c0_i32_1 = arith.constant 0 : i32
    return %arg0, %c0_i32, %c0_i32_0 : i32, i32, i32
  }
  func.func @transform_4(%arg0: i32) -> (i32, i32, i32) {
    %c0_i32 = arith.constant 0 : i32
    %c0_i32_0 = arith.constant 0 : i32
    %c0_i32_1 = arith.constant 0 : i32
    return %arg0, %c0_i32, %c0_i32_0 : i32, i32, i32
  }
  func.func @transform_5(%arg0: i32) -> (i32, i32) {
    %c0_i32 = arith.constant 0 : i32
    %c0_i32_0 = arith.constant 0 : i32
    %c0_i32_1 = arith.constant 0 : i32
    return %c0_i32, %c0_i32_0 : i32, i32
  }
}

module attributes {stable_mosaic.version = 14 : i64} {
  func.func @_mlp_body(%arg0: memref<1024x128xf32, #tpu.memory_space<vmem>>, %arg1: memref<1024x1xi32, #tpu.memory_space<vmem>>, %arg2: memref<512x64xf32, #tpu.memory_space<vmem>>, %arg3: memref<1x512xf32, #tpu.memory_space<vmem>>, %arg4: memref<64x512xf32, #tpu.memory_space<vmem>>, %arg5: memref<1x64xf32, #tpu.memory_space<vmem>>, %arg6: memref<64x512xf32, #tpu.memory_space<vmem>>, %arg7: memref<1x64xf32, #tpu.memory_space<vmem>>, %arg8: memref<1024x64xf32, #tpu.memory_space<vmem>>, %arg9: memref<1024x64xf32, #tpu.memory_space<vmem>>) attributes {dimension_semantics = [], scalar_prefetch = 0 : i64, scratch_operands = 0 : i64, tpu.core_type = #tpu.core_type<tc>} {
    %get3A = arith.constant 0 : index
    %get3A_0 = arith.constant 0 : index
    %get3A_1 = vector.load %arg1[%get3A, %get3A_0] : memref<1024x1xi32, #tpu.memory_space<vmem>>, vector<1024x1xi32>
    %and3A = arith.constant 1 : i32
    %and3A_2 = vector.broadcast %and3A : i32 to vector<1024x1xi32>
    %and3A_3 = arith.andi %get3A_1, %and3A_2 : vector<1024x1xi32>
    %eq3A = arith.constant 1 : i32
    %eq3A_4 = vector.broadcast %eq3A : i32 to vector<1024x1xi32>
    %eq3A_5 = arith.cmpi eq, %and3A_3, %eq3A_4 : vector<1024x1xi32>
    %get3A_6 = arith.constant 0 : index
    %get3A_7 = arith.constant 64 : index
    %get3A_8 = vector.load %arg0[%get3A_6, %get3A_7] : memref<1024x128xf32, #tpu.memory_space<vmem>>, vector<1024x64xf32>
    %get3A_9 = arith.constant 0 : index
    %get3A_10 = arith.constant 0 : index
    %get3A_11 = vector.load %arg0[%get3A_9, %get3A_10] : memref<1024x128xf32, #tpu.memory_space<vmem>>, vector<1024x64xf32>
    %broadcast_in_dim3A = vector.shape_cast %eq3A_5 : vector<1024x1xi1> to vector<1024x1xi1>
    %broadcast_in_dim3A_12 = vector.broadcast %broadcast_in_dim3A : vector<1024x1xi1> to vector<1024x64xi1>
    %select_n3A = arith.select %broadcast_in_dim3A_12, %get3A_8, %get3A_11 : vector<1024x64xi1>, vector<1024x64xf32>
    %get3A_13 = arith.constant 0 : index
    %get3A_14 = arith.constant 0 : index
    %get3A_15 = vector.load %arg2[%get3A_13, %get3A_14] : memref<512x64xf32, #tpu.memory_space<vmem>>, vector<512x64xf32>
    %dot_general3A = arith.constant dense<0.000000e+00> : vector<1024x512xf32>
    %dot_general3A_16 = tpu.matmul %select_n3A, %get3A_15, %dot_general3A {dimension_numbers = #tpu.dot_dimension_numbers<[1], [1], [0], [0], [0, 0, 1, 0], [], []>, transpose_lhs_hint = false} : vector<1024x64xf32>, vector<512x64xf32>, vector<1024x512xf32> -> vector<1024x512xf32>
    %get3A_17 = arith.constant 0 : index
    %get3A_18 = arith.constant 0 : index
    %get3A_19 = vector.load %arg3[%get3A_17, %get3A_18] : memref<1x512xf32, #tpu.memory_space<vmem>>, vector<1x512xf32>
    %add3A = vector.broadcast %get3A_19 : vector<1x512xf32> to vector<1024x512xf32>
    %add3A_20 = arith.addf %dot_general3A_16, %add3A : vector<1024x512xf32>
    %max3A = arith.constant 0.000000e+00 : f32
    %max3A_21 = vector.broadcast %max3A : f32 to vector<1024x512xf32>
    %max3A_22 = arith.maximumf %add3A_20, %max3A_21 : vector<1024x512xf32>
    %get3A_23 = arith.constant 0 : index
    %get3A_24 = arith.constant 0 : index
    %get3A_25 = vector.load %arg4[%get3A_23, %get3A_24] : memref<64x512xf32, #tpu.memory_space<vmem>>, vector<64x512xf32>
    %dot_general3A_26 = arith.constant dense<0.000000e+00> : vector<1024x64xf32>
    %dot_general3A_27 = tpu.matmul %max3A_22, %get3A_25, %dot_general3A_26 {dimension_numbers = #tpu.dot_dimension_numbers<[1], [1], [0], [0], [0, 0, 1, 0], [], []>, transpose_lhs_hint = false} : vector<1024x512xf32>, vector<64x512xf32>, vector<1024x64xf32> -> vector<1024x64xf32>
    %get3A_28 = arith.constant 0 : index
    %get3A_29 = arith.constant 0 : index
    %get3A_30 = vector.load %arg5[%get3A_28, %get3A_29] : memref<1x64xf32, #tpu.memory_space<vmem>>, vector<1x64xf32>
    %add3A_31 = vector.broadcast %get3A_30 : vector<1x64xf32> to vector<1024x64xf32>
    %add3A_32 = arith.addf %dot_general3A_27, %add3A_31 : vector<1024x64xf32>
    %swap3A = arith.constant 0 : index
    %swap3A_33 = arith.constant 0 : index
    %swap3A_34 = vector.load %arg8[%swap3A, %swap3A_33] : memref<1024x64xf32, #tpu.memory_space<vmem>>, vector<1024x64xf32>
    tpu.vector_store %arg8[%swap3A, %swap3A_33], %add3A_32 {strides = array<i32>} : memref<1024x64xf32, #tpu.memory_space<vmem>>, vector<1024x64xf32>,
    %get3A_35 = arith.constant 0 : index
    %get3A_36 = arith.constant 0 : index
    %get3A_37 = vector.load %arg6[%get3A_35, %get3A_36] : memref<64x512xf32, #tpu.memory_space<vmem>>, vector<64x512xf32>
    %dot_general3A_38 = arith.constant dense<0.000000e+00> : vector<1024x64xf32>
    %dot_general3A_39 = tpu.matmul %max3A_22, %get3A_37, %dot_general3A_38 {dimension_numbers = #tpu.dot_dimension_numbers<[1], [1], [0], [0], [0, 0, 1, 0], [], []>, transpose_lhs_hint = false} : vector<1024x512xf32>, vector<64x512xf32>, vector<1024x64xf32> -> vector<1024x64xf32>
    %get3A_40 = arith.constant 0 : index
    %get3A_41 = arith.constant 0 : index
    %get3A_42 = vector.load %arg7[%get3A_40, %get3A_41] : memref<1x64xf32, #tpu.memory_space<vmem>>, vector<1x64xf32>
    %add3A_43 = vector.broadcast %get3A_42 : vector<1x64xf32> to vector<1024x64xf32>
    %add3A_44 = arith.addf %dot_general3A_39, %add3A_43 : vector<1024x64xf32>
    %custom_jvp_call3A = arith.constant 0.000000e+00 : f32
    %max3A_45 = vector.broadcast %custom_jvp_call3A : f32 to vector<1024x64xf32>
    %max3A_46 = arith.maximumf %add3A_44, %max3A_45 : vector<1024x64xf32>
    %sub3A = vector.broadcast %custom_jvp_call3A : f32 to vector<1024x64xf32>
    %sub3A_47 = arith.subf %add3A_44, %sub3A : vector<1024x64xf32>
    %ne3A = arith.cmpf one, %sub3A_47, %sub3A_47 : vector<1024x64xf32>
    %add3A_48 = vector.broadcast %custom_jvp_call3A : f32 to vector<1024x64xf32>
    %add3A_49 = arith.addf %add3A_44, %add3A_48 : vector<1024x64xf32>
    %abs3A = math.absf %sub3A_47 : vector<1024x64xf32>
    %neg3A = arith.constant 0.000000e+00 : f32
    %neg3A_50 = vector.broadcast %neg3A : f32 to vector<1024x64xf32>
    %neg3A_51 = arith.subf %neg3A_50, %abs3A : vector<1024x64xf32>
    %exp3A = math.exp %neg3A_51 : vector<1024x64xf32>
    %log1p3A = math.log1p %exp3A : vector<1024x64xf32>
    %add3A_52 = arith.addf %max3A_46, %log1p3A : vector<1024x64xf32>
    %select_n3A_53 = arith.select %ne3A, %add3A_49, %add3A_52 : vector<1024x64xi1>, vector<1024x64xf32>
    %add3A_54 = arith.constant 9.99999974E-5 : f32
    %add3A_55 = vector.broadcast %add3A_54 : f32 to vector<1024x64xf32>
    %add3A_56 = arith.addf %select_n3A_53, %add3A_55 : vector<1024x64xf32>
    %swap3A_57 = arith.constant 0 : index
    %swap3A_58 = arith.constant 0 : index
    %swap3A_59 = vector.load %arg9[%swap3A_57, %swap3A_58] : memref<1024x64xf32, #tpu.memory_space<vmem>>, vector<1024x64xf32>
    tpu.vector_store %arg9[%swap3A_57, %swap3A_58], %add3A_56 {strides = array<i32>} : memref<1024x64xf32, #tpu.memory_space<vmem>>, vector<1024x64xf32>,
    return
  }
}

</mosaic_0001>

<sc_bundles>
// kernel: kernel.5.cloned.1.call-start
scs
__scs_entry_jumppad:
0x0: {  	(pc) =	sbr.rel $0x88, $3  }
0x1: {  	(tag) =	ssettag $0x0;
	lr =	simm.s32 $0x1  }
0x2: {  	[smem:$0x3F99] =	sst lr;
	_ =	strace $0xD0000000  }
0x3: {  	_ = 	snop  }
0x4: {  	_ = 	snop  }
0x5: {  	_ = 	snop  }
0x6: {  	_ = 	snop  }
0x7: {  	_ = 	snop  }
__scs_overlays_trampoline_lowered:
0x8: {  	[smem:$0x3FA8] =	sst s0  }
0x9: {  	[smem:$0x3FA9] =	sst s1  }
0xa: {  	[smem:$0x3FAA] =	sst s2  }
0xb: {  	[smem:$0x3FAB] =	sst s3  }
0xc: {  	[smem:$0x3FAC] =	sst s4  }
0xd: {  	[smem:$0x3FAD] =	sst s5  }
0xe: {  	[smem:$0x3FAE] =	sst s6  }
0xf: {  	[smem:$0x3FAF] =	sst s7  }
0x10: {  	[smem:$0x3FB0] =	sst s8  }
0x11: {  	[smem:$0x3FB1] =	sst s9;
	s0 =	simm.s32 @!p0 $0x0  }
0x12: {  	s1 =	sld [smem:$0x3F97];
	s0 =	simm.s32 @p0 $0x1  }
0x13: {  	[smem:$0x3FB2] =	sst s0;
	s0 =	simm.s32 @!p1 $0x0  }
0x14: {  	s2 =	sld [smem:$0x3F96];
	s0 =	simm.s32 @p1 $0x1  }
0x15: {  	[smem:$0x3FB3] =	sst s0;
	s0 =	simm.s32 @!p2 $0x0  }
0x16: {  	s3 =	sld [smem:$0x3FDB];
	s0 =	simm.s32 @p2 $0x1  }
0x17: {  	s4 =	simm.s32 $0x1BF5;
	[smem:$0x3FB5] =	sst s0  }
0x18: {  	s0 =	sld [smem:$0x3F98];
	_ =	swait.ge [sflag:s4], $0x0  }
0x19: {  	s7 =	sld [smem:$0x3F99]  }
0x1a: {  	s8 =	sadd.s32 $0xFFFFE003, lr  }
0x1b: {  	s9 =	sadd.s32 $0xFFFFFEF7, lr;
	s5 =	simm.s32 $0xFFFFFFFF;
	p2 =	slt.u32 s8, $0xFFFFF086  }
0x1c: {  	p1 =	slt.u32 s9, $0xF7A;
	s5 =	simm.s32 @!p2 $0x0  }
0x1d: {  	s5 =	simm.s32 @p1 $0x1;
	p0 =	seq.s32 s7, s2  }
0x1e: {  	s7 =	smul.u32 @!p0 $0xF7A, s2;
	p2 =	seq.s32 @!p0 s5, $0x0  }
0x1f: {  	s9 =	smul.u32 $0xF7A, s1;
	s8 =	simm.s32 @!p0 $0x1BF5;
	p2 =	por !p2, p0  }
0x20: {  	[sflag:s8] =	ssyncset.s32 @!p0 $0xFFFFF086;
	s6 =	sadd.s32 @!p0 s3, s7;
	s7 =	simm.s32 @!p0 $0x108  }
0x21: {  	s3 =	sadd.s32 s3, s9;
	s6 =	sadd.s32 @!p0 $0x88, s6;
	s7 =	simm.s32 @p2 $0x1082  }
0x22: {  	[simem:s7], [sflag:s8] =	dma.local @!p0 [hbm:s6], $0xF7A  }
0x23: {  	s9 =	sor.u32 $0xD0000000, s2;
	s6 =	simm.s32 $0x108;
	_ =	swait.ge @!p0 [sflag:s8], $0x0  }
0x24: {  	s3 =	sadd.s32 $0x88, s3;
	s6 =	simm.s32 @!p1 $0x1082;
	[sflag:s4] =	ssyncset.s32 $0xFFFFF086  }
0x25: {  	[simem:s6], [sflag:s4] =	dma.local [hbm:s3], $0xF7A  }
0x26: {  	[smem:$0x3F99] =	sst s1;
	(tag) =	ssettag s2;
	_ =	strace s9  }
0x27: {  	s1 =	sld [smem:$0x3FA9]  }
0x28: {  	s2 =	sld [smem:$0x3FAA]  }
0x29: {  	s4 =	sld [smem:$0x3FAC]  }
0x2a: {  	p0 =	seq.s32 s5, $0x0;
	s5 =	sld [smem:$0x3FAD]  }
0x2b: {  	s6 =	sld [smem:$0x3FAE]  }
0x2c: {  	s7 =	sld [smem:$0x3FAF]  }
0x2d: {  	s3 =	simm.s32 $0x108;
	s8 =	sld [smem:$0x3FB0]  }
0x2e: {  	s3 =	simm.s32 @!p0 $0x1082;
	s9 =	sld [smem:$0x3FB1]  }
0x2f: {  	lr =	sadd.s32 s0, s3;
	s0 =	sld [smem:$0x3FA8]  }
0x30: {  	s3 =	sld [smem:$0x3FAB]  }
0x31: {  	[smem:$0x3FB4] =	sst s10  }
0x32: {  	s10 =	sld [smem:$0x3FB2];
	_ =	sdelay $0x3  }
0x33: {  	p0 =	seq.s32 s10, $0x1;
	s10 =	sld [smem:$0x3FB4];
	_ =	sdelay $0x3  }
0x34: {  	[smem:$0x3FB4] =	sst s10  }
0x35: {  	s10 =	sld [smem:$0x3FB3];
	_ =	sdelay $0x3  }
0x36: {  	p1 =	seq.s32 s10, $0x1;
	s10 =	sld [smem:$0x3FB4];
	_ =	sdelay $0x3  }
0x37: {  	[smem:$0x3FB4] =	sst s10  }
0x38: {  	s10 =	sld [smem:$0x3FB5]  }
0x39: {  	_ = 	snop;
	(pc) =	sbr.ind lr, $3  }
0x3a: {  	_ = 	snop  }
0x3b: {  	_ = 	snop  }
0x3c: {  	p2 =	seq.s32 s10, $0x1;
	s10 =	sld [smem:$0x3FB4]  }
0x3d: {  	_ =	shalt  }
0x3e: {  	_ =	shalt  }
0x3f: {  	_ =	shalt  }
0x40: {  	_ =	shalt  }
0x41: {  	_ =	shalt  }
0x42: {  	_ =	shalt  }
0x43: {  	_ =	shalt  }
0x44: {  	_ =	shalt  }
0x45: {  	_ =	shalt  }
0x46: {  	_ =	shalt  }
0x47: {  	_ =	shalt  }
0x48: {  	_ =	shalt  }
0x49: {  	_ =	shalt  }
0x4a: {  	_ =	shalt  }
0x4b: {  	_ =	shalt  }
0x4c: {  	_ =	shalt  }
0x4d: {  	_ =	shalt  }
0x4e: {  	_ =	shalt  }
0x4f: {  	_ =	shalt  }
0x50: {  	_ =	shalt  }
0x51: {  	_ =	shalt  }
0x52: {  	_ =	shalt  }
0x53: {  	_ =	shalt  }
0x54: {  	_ =	shalt  }
0x55: {  	_ =	shalt  }
0x56: {  	_ =	shalt  }
0x57: {  	_ =	shalt  }
0x58: {  	_ =	shalt  }
0x59: {  	_ =	shalt  }
0x5a: {  	_ =	shalt  }
0x5b: {  	_ =	shalt  }
0x5c: {  	_ =	shalt  }
0x5d: {  	_ =	shalt  }
0x5e: {  	_ =	shalt  }
0x5f: {  	_ =	shalt  }
0x60: {  	_ =	shalt  }
0x61: {  	_ =	shalt  }
0x62: {  	_ =	shalt  }
0x63: {  	_ =	shalt  }
0x64: {  	_ =	shalt  }
0x65: {  	_ =	shalt  }
0x66: {  	_ =	shalt  }
0x67: {  	_ =	shalt  }
0x68: {  	_ =	shalt  }
0x69: {  	_ =	shalt  }
0x6a: {  	_ =	shalt  }
0x6b: {  	_ =	shalt  }
0x6c: {  	_ =	shalt  }
0x6d: {  	_ =	shalt  }
0x6e: {  	_ =	shalt  }
0x6f: {  	_ =	shalt  }
0x70: {  	_ =	shalt  }
0x71: {  	_ =	shalt  }
0x72: {  	_ =	shalt  }
0x73: {  	_ =	shalt  }
0x74: {  	_ =	shalt  }
0x75: {  	_ =	shalt  }
0x76: {  	_ =	shalt  }
0x77: {  	_ =	shalt  }
0x78: {  	_ =	shalt  }
0x79: {  	_ =	shalt  }
0x7a: {  	_ =	shalt  }
0x7b: {  	_ =	shalt  }
0x7c: {  	_ =	shalt  }
0x7d: {  	_ =	shalt  }
0x7e: {  	_ =	shalt  }
0x7f: {  	_ =	shalt  }
0x80: {  	_ =	shalt  }
0x81: {  	_ =	shalt  }
0x82: {  	_ =	shalt  }
0x83: {  	_ =	shalt  }
0x84: {  	_ =	shalt  }
0x85: {  	_ =	shalt  }
0x86: {  	_ =	shalt  }
0x87: {  	_ =	shalt  }
.Lfunc_end0:
.L_simem_size_0:
called_computation_lowered:
.L_overlay_start_0:
0x88: {  	s2 =	sld [smem:$0x3FD9]  }
0x89: {  	s3 =	sld [smem:$0x3FFE];
	_ =	sdelay $0x1  }
0x8a: {  	s1 =	srdreg.scid  }
0x8b: {  	s0 =	sand.u32 $0x1, s1  }
0x8c: {  	s14 =	sshll.u32 s0, $0xA;
	s2 =	sadd.s32 s3, s2  }
0x8d: {  	s2 =	sadd.s32 s2, s14  }
0x8e: {  	[smem:$0x3FC0] =	sst s2  }
0x8f: {  	_ = 	snop  }
0x90: {  	s2 =	sld [smem:$0x3FD0];
	_ =	sdelay $0x2  }
0x91: {  	s15 =	simm.s32 $0xA;
	s4 =	simm.s32 $0x10  }
0x92: {  	[smem:s4], [sflag:s15] =	dma.local [hbm:s2], $0x1  }
0x93: {  	_ =	swait.eq [sflag:s15], $0x1  }
0x94: {  	[sflag:s15] =	ssyncset.done $0x0  }
0x95: {  	[sflag:s15] =	ssyncadd.s32 $0xFFFFFFFF  }
0x96: {  	s16 =	sld [smem:$0x11];
	(tm) =	ssettm $0x1  }
0x97: {  	s17 =	sld [smem:$0x3FFB];
	_ =	sdelay $0x3  }
0x98: {  	_ =	strace s17  }
0x99: {  	s3 =	sld [smem:$0x3FFC];
	_ =	sdelay $0x3  }
0x9a: {  	_ =	strace s3  }
0x9b: {  	s3 =	sld [smem:$0x3FFD];
	_ =	sdelay $0x3  }
0x9c: {  	_ =	strace s3  }
0x9d: {  	_ =	strace $0x8FFFFFFF  }
0x9e: {  	s18 =	sld [smem:$0x3FDB];
	_ =	sdelay $0x1  }
0x9f: {  	s19 =	simm.s32 $_scs_section_size  }
0xa0: {  	s5 =	simm.s32 $_size__tile_overlayer_lowered;
	s6 =	simm.s32 $_tile_overlayer_lowered  }
0xa1: {  	s22 =	simm.s32 $0x1BFF;
	s21 =	sshll.u32 s6, $0x1;
	s3 =	sadd.s32 s19, s18  }
0xa2: {  	s7 =	simm.s32 $0x0;
	s20 =	sshll.u32 s5, $0x1;
	s5 =	sadd.s32 s21, s3  }
0xa3: {  	[timem:s7], [sflag:s22] =	dma.local [hbm:s5], s20  }
0xa4: {  	_ =	swait.ge [sflag:s22], s20  }
0xa5: {  	s4 =	ssub.s32 $0x0, s20;
	[sflag:s22] =	ssyncset.done $0x0  }
0xa6: {  	[sflag:s22] =	ssyncadd.s32 s4;
	_ =	sdelay $0x1  }
0xa7: {  	s23 =	simm.s32 $0x1B8B  }
0xa8: {  	_ =	swait.ge [sflag:s23], $0x1  }
0xa9: {  	[sflag:s23] =	ssyncset.done $0x0  }
0xaa: {  	s25 =	simm.s32 $0x1B8E;
	s24 =	sld [smem:$0x3FFE];
	[sflag:s23] =	ssyncadd.s32 $0xFFFFFFFF  }
0xab: {  	s26 =	simm.s32 $execute0_lowered;
	[smem:$0x3FD2] =	sst s25  }
0xac: {  	s5 =	sshll.u32 s26, $0x1;
	_ =	strace $0x80000046;
	[dreg:$0x1] =	wrdreg $0xFFFFFFFF  }
0xad: {  	s28 =	simm.s32 $_size_execute0_lowered;
	s3 =	sadd.s32 s3, s5;
	[dreg:$0x0] =	wrdreg $0x0  }
0xae: {  	s5 =	sshll.u32 s28, $0x1;
	[dreg:$0x2] =	wrdreg s3  }
0xaf: {  	[dreg:$0x3] =	wrdreg s5  }
0xb0: {  	[dreg:$0x4] =	wrdreg $0xC0  }
0xb1: {  	_ =	task [dreg:s7], $0x5FFFF  }
0xb2: {  	[dreg:$0x1] =	wrdreg $0xFFFFFFFF  }
0xb3: {  	[dreg:$0x0] =	wrdreg $0x60  }
0xb4: {  	[dreg:$0x2] =	wrdreg s24  }
0xb5: {  	[dreg:$0x3] =	wrdreg s16  }
0xb6: {  	[dreg:$0x4] =	wrdreg $0x9  }
0xb7: {  	_ =	task.clear_ibuf [dreg:s7], $0x5FFFF;
	_ =	strace $0x90000046  }
0xb8: {  	s29 =	simm.s32 $0x9;
	_ =	strace $0x80000048  }
0xb9: {  	_ =	swait.ge [sflag:s29], $0x1  }
0xba: {  	[sflag:s29] =	ssyncadd.s32 $0xFFFFFFFF  }
0xbb: {  	_ =	strace $0x90000048  }
0xbc: {  	_ =	sfence  }
0xbd: {  	s30 =	sld [smem:$0x0];
	_ =	sdelay $0x2  }
0xbe: {  	s31 =	sshll.u32 s1, $0xD;
	s1 =	sshrl.u32 s1, $0x2  }
0xbf: {  	s3 =	sand.u32 $0x4000, s31;
	s1 =	sadd.s32 s1, s30  }
0xc0: {  	s0 =	sor.u32 s3, s0;
	s1 =	sshll.u32 s1, $0x11  }
0xc1: {  	s0 =	sor.u32 s1, s0  }
0xc2: {  	s0 =	sadd.s32 $0x8F2B, s0  }
0xc3: {  	[sflag:s0] =	ssyncadd.remote.s32 $0x1  }
0xc4: {  	_ =	sfence.sel $0xFFFF  }
0xc5: {  	[dreg:$0x0] =	wrdreg $0xFFFFFFFF;
	(pc) =	sbr.abs _section_cstart, $3  }
0xc6: {  	[dreg:$0x1] =	wrdreg $0xFFFFFFFF  }
0xc7: {  	_ =	task.clear_ibuf [dreg:s7], $0x2FFFF;
	_ =	strace $0x9FFFFFFF  }
0xc8: {  	(tm) =	ssettm $0x7FFFFFFF  }
0xc9: {  	_ =	shalt  }
tec
execute0_lowered:
.L_overlay_start_1:
0x0: {  	(tag) =	ssettag $0x1  }
0x1: {  	s1 =	srdreg.scid  }
0x2: {  	s10 =	rddreg [dreg:$0x0];
	s0 =	stileid.u32;
	s6 =	sand.u32 $0x1, s1  }
0x3: {  	s3 =	rddreg [dreg:$0x1];
	s4 =	sshll.u32 s0, $0x6;
	s5 =	sshll.u32 s6, $0x5  }
0x4: {  	s2 =	simm.s32 $0x0;
	s1 =	rddreg [dreg:$0x2];
	s11 =	sor.u32 s5, s4  }
0x5: {  	[smem:$0x7FF] =	sst s2;
	s4 =	sshrl.u32 s11, $0x3  }
0x6: {  	_ =	strace $0x80000047;
	s4 =	sadd.s32 s3, s4;
	s3 =	simm.s32 $0x2  }
0x7: {  	[tilespmem:s2], [sflag:$0x2] =	stream.linear.gather [hbm4b:s4+s2], $0x20, $0x38;
	[tilespmem:$0x1100] =	vst v63  }
0x8: {  	_ =	swait.ge [sflag:s3], $0x20  }
0x9: {  	[sflag:s3] =	ssyncset.done $0x0  }
0xa: {  	[sflag:s3] =	ssyncadd.s32 $0xFFFFFFE0  }
0xb: {  	v0 =	vld [tilespmem:$0x0]  }
0xc: {  	v1 =	vld [tilespmem:$0x10];
	_ =	sdelay $0x1  }
0xd: {  	s12 =	ssub.s32 $0x2, s6  }
0xe: {  	s7 =	simm.s32 $0x80;
	s13 =	sshrl.u32 s12, $0x1  }
0xf: {  	s8 =	simm.s32 $0x100;
	s11 =	sshll.u32 s11, $0x4;
	s31 =	ssub.s32 s12, s13;
	v0 =	vshrl.u32 v0, $0x1  }
0x10: {  	s5 =	sadd.s32 $0x187200, s10;
	s10 =	sadd.s32 s11, s10;
	s11 =	smax.u32 s31, $0x1;
	v63 =	vshrl.u32 v1, $0x1;
	[tilespmem:$0x80] =	vst v0  }
0x11: {  	s9 =	simm.s32 $0x1;
	s6 =	simm.s32 $0x20;
	p0 =	sne.s32 s11, $0x1;
	[tilespmem:$0x90] =	vst v63  }
0x12: {  	[tilespmem:s8], [sflag:$0x1] =	stream.indirect.gather [hbm4b:s5+s6], $0x80, s7, s6, $0xb8;
	[tilespmem:$0x1100] =	vst v63  }
.Ltmp0:
0x13: {  	_ =	swait.ge [sflag:s9], $0x1000;
	(pc) =	sbr.rel @!p0 .LBB2_2-.Ltmp0, $4  }
0x14: {  	[sflag:s9] =	ssyncset.done $0x0  }
0x15: {  	s10 =	sadd.s32 $0x800, s10;
	[sflag:s9] =	ssyncadd.s32 $0xFFFFF000  }
0x16: {  	[hbm4b:s10+s2] =	stream.linear.scatter [tilespmem:s8], [sflag:$0x2], $0x1000, $0x38;
	[tilespmem:$0x1100] =	vst v63  }
0x17: {  	s11 =	sadd.s32 $0xFFFFFFFF, s11;
	_ =	swait.ge [sflag:s3], $0x1000  }
.LBB2_1:
0x18: {  	p0 =	sne.s32 s11, $0x1;
	s11 =	sadd.s32 $0xFFFFFFFF, s11;
	[sflag:s3] =	ssyncset.done $0x0  }
0x19: {  	[sflag:s3] =	ssyncadd.s32 $0xFFFFF000  }
0x1a: {  	[tilespmem:s2], [sflag:$0x2] =	stream.linear.gather [hbm4b:s4+s2], $0x20, $0x38;
	[tilespmem:$0x1100] =	vst v63  }
0x1b: {  	_ =	swait.ge [sflag:s3], $0x20  }
0x1c: {  	[sflag:s3] =	ssyncset.done $0x0  }
0x1d: {  	[sflag:s3] =	ssyncadd.s32 $0xFFFFFFE0  }
0x1e: {  	v0 =	vld [tilespmem:$0x0]  }
0x1f: {  	v1 =	vld [tilespmem:$0x10];
	_ =	sdelay $0x3  }
0x20: {  	v0 =	vshrl.u32 v0, $0x1  }
0x21: {  	[tilespmem:$0x80] =	vst v0;
	v0 =	vshrl.u32 v1, $0x1  }
0x22: {  	[tilespmem:$0x90] =	vst v0  }
0x23: {  	[tilespmem:s8], [sflag:$0x1] =	stream.indirect.gather [hbm4b:s5+s6], $0x80, s7, s6, $0xb8;
	[tilespmem:$0x1100] =	vst v63  }
.Ltmp1:
0x24: {  	_ =	swait.ge [sflag:s9], $0x1000;
	(pc) =	sbr.rel @p0 .LBB2_1-.Ltmp1, $4  }
0x25: {  	[sflag:s9] =	ssyncset.done $0x0  }
0x26: {  	[sflag:s9] =	ssyncadd.s32 $0xFFFFF000  }
0x27: {  	[hbm4b:s10+s2] =	stream.linear.scatter [tilespmem:s8], [sflag:$0x2], $0x1000, $0x38;
	[tilespmem:$0x1100] =	vst v63  }
0x28: {  	_ =	swait.ge [sflag:s3], $0x1000  }
.LBB2_2:
0x29: {  	[sflag:s3] =	ssyncset.done $0x0  }
0x2a: {  	[sflag:s3] =	ssyncadd.s32 $0xFFFFF000  }
0x2b: {  	_ =	sfence.sel $0x180000  }
0x2c: {  	[bflag:$0x0] =	sbarrier.arrive $0xFFFF  }
0x2d: {  	p0 =	sne.s32 s0, $0x0;
	_ =	strace $0x90000047  }
0x2e: {  	s0 =	sadd.s32 @!p0 $0x100000, s1;
	[bflag:$0x2] =	sbarrier.arrive $0xFFFF  }
0x2f: {  	[sflag:s0] =	ssyncadd.tile.s32 @!p0 $0x1;
	_ =	shalt  }
.Lfunc_end2:
_tile_overlayer_lowered:
.L_overlay_start_2:
0x30: {  	(tag) =	ssettag $0x2  }
0x31: {  	s0 =	rddreg [dreg:$0x0];
	s2 =	stileid.u32  }
0x32: {  	s1 =	rddreg [dreg:$0x1];
	p0 =	sne.s32 s2, $0x0  }
0x33: {  	s3 =	rddreg [dreg:$0x2];
	[bflag:$0x3] =	sbarrier.arrive $0xFFFF;
	s2 =	simm.s32 @!p0 $0x1C02  }
0x34: {  	[timem:s3], [sflag:s2] =	dma.local @!p0 [hbm:s0], s1  }
0x35: {  	s0 =	simm.s32 @!p0 $0x2  }
0x36: {  	_ =	swait.ge @!p0 [sflag:s0], s1  }
0x37: {  	s1 =	ssub.s32 @!p0 $0x0, s1;
	[sflag:s0] =	ssyncset.done @!p0 $0x0  }
0x38: {  	[sflag:s0] =	ssyncadd.s32 @!p0 s1  }
0x39: {  	[bflag:$0x3] =	sbarrier.arrive $0xFFFF  }
0x3a: {  	_ =	shalt  }

</sc_bundles>
